<compile_context>
chip_gen: v7x
topology: tpu7x:2x2x1
jax: 0.10.2.dev20260603
libtpu: 0.0.44.dev20260713+nightly
codegen_flags: <defaults>
</compile_context>

<pallas_src>
import functools

import jax
import jax.numpy as jnp
from jax import lax
from jax.experimental import pallas as pl
from jax.experimental.pallas import tpu as pltpu
from jax.experimental.pallas import tpu_sc as plsc

N = 10000
E = 320000
D = 128
K = 9

NC = 2
NS = 16
NW = NC * NS
CHUNK = 128
NCHUNK = 80
EPW = NCHUNK * CHUNK
EPAD = NW * EPW
NACC = 10112
RPT = NACC // NS
HCH = NCHUNK // 2


def _mm_body(x_ref, w_ref, o_ref, o2_ref):
    r = jnp.dot(x_ref[...], w_ref[0], preferred_element_type=jnp.float32)
    o_ref[0] = r
    o2_ref[0] = r


def _xk_table(x, W):
    BN = 2000
    return pl.pallas_call(
        _mm_body,
        grid=(N // BN, K),
        in_specs=[
            pl.BlockSpec((BN, D), lambda n, k: (n, 0)),
            pl.BlockSpec((1, D, D), lambda n, k: (k, 0, 0)),
        ],
        out_specs=[pl.BlockSpec((1, BN, D), lambda n, k: (k, n, 0)),
                   pl.BlockSpec((1, BN, D), lambda n, k: (k, n, 0))],
        out_shape=[jax.ShapeDtypeStruct((K, N, D), jnp.float32),
                   jax.ShapeDtypeStruct((K, N, D), jnp.float32)],
    )(x, W)


def _sc_body(xk_hbm, xk2_hbm, gi_hbm, di_hbm, zero_hbm, out_hbm,
             gi_v, di_v, rows_v, acc_sh, sem0):
    c = lax.axis_index("c")
    s = lax.axis_index("s")
    w = c * NS + s

    pltpu.sync_copy(zero_hbm.at[pl.ds(s * RPT, RPT)],
                    acc_sh.at[pl.ds(s * RPT, RPT)])
    plsc.subcore_barrier()

    def chunk(j, carry):
        @pl.when(c == 0)
        def _():
            pltpu.async_copy(xk_hbm.at[gi_v.at[j]],
                             rows_v.at[pl.ds(0, CHUNK)], sem0)

        @pl.when(c == 1)
        def _():
            pltpu.async_copy(xk2_hbm.at[gi_v.at[j]],
                             rows_v.at[pl.ds(0, CHUNK)], sem0)

        prev = rows_v.at[pl.ds(0, CHUNK)]
        pltpu.make_async_copy(xk_hbm.at[gi_v.at[j]], prev, sem0).wait()
        pltpu.sync_copy(prev, acc_sh.at[di_v.at[j]], add=True)
        return carry

    for ph in (0, 1):
        base = w * NCHUNK + ph * HCH
        pltpu.sync_copy(gi_hbm.at[pl.ds(base, HCH)], gi_v)
        pltpu.sync_copy(di_hbm.at[pl.ds(base, HCH)], di_v)
        lax.fori_loop(0, HCH, chunk, 0)

    plsc.subcore_barrier()

    pltpu.sync_copy(acc_sh.at[pl.ds(s * RPT, RPT)],
                    out_hbm.at[c, pl.ds(s * RPT, RPT)])


def _gather_scatter(xk2d, xk2d_b, gidx, dsts, zeros):
    mesh = plsc.VectorSubcoreMesh(core_axis_name="c", subcore_axis_name="s")
    f = pl.kernel(
        _sc_body,
        out_type=jax.ShapeDtypeStruct((NC, NACC, D), jnp.float32),
        mesh=mesh,
        scratch_types=[
            pltpu.VMEM((HCH, CHUNK), jnp.int32),
            pltpu.VMEM((HCH, CHUNK), jnp.int32),
            pltpu.VMEM((2 * CHUNK, D), jnp.float32),
            pltpu.VMEM_SHARED((NACC, D), jnp.float32),
            pltpu.SemaphoreType.DMA,
        ],
    )
    return f(xk2d, xk2d_b, gidx, dsts, zeros)


def _stats_body(p_ref, o_ref):
    agg = p_ref[0] + p_ref[1]

    @pl.when(pl.program_id(0) == 0)
    def _():
        o_ref[...] = jnp.zeros_like(o_ref)

    o_ref[0:1] += jnp.sum(agg, axis=0, keepdims=True)
    o_ref[1:2] += jnp.sum(agg * agg, axis=0, keepdims=True)


def _fin_body(p_ref, st_ref, b_ref, g_ref, bb_ref, o_ref):
    agg = p_ref[0] + p_ref[1] + b_ref[...]
    mean_agg = st_ref[0:1] * (1.0 / N)
    mean = mean_agg + b_ref[...]
    var = st_ref[1:2] * (1.0 / N) - mean_agg * mean_agg
    y = (agg - mean) * lax.rsqrt(var + 1e-5) * g_ref[...] + bb_ref[...]
    o_ref[...] = jnp.where(y > 0, y, jnp.exp(jnp.minimum(y, 0.0)) - 1.0)


def _finalize(partial, b, g, bb):
    BN = 2000
    stats = pl.pallas_call(
        _stats_body,
        grid=(N // BN,),
        in_specs=[pl.BlockSpec((NC, BN, D), lambda i: (0, i, 0))],
        out_specs=pl.BlockSpec((2, D), lambda i: (0, 0)),
        out_shape=jax.ShapeDtypeStruct((2, D), jnp.float32),
    )(partial)
    return pl.pallas_call(
        _fin_body,
        grid=(N // BN,),
        in_specs=[
            pl.BlockSpec((NC, BN, D), lambda i: (0, i, 0)),
            pl.BlockSpec((2, D), lambda i: (0, 0)),
            pl.BlockSpec((1, D), lambda i: (0, 0)),
            pl.BlockSpec((1, D), lambda i: (0, 0)),
            pl.BlockSpec((1, D), lambda i: (0, 0)),
        ],
        out_specs=pl.BlockSpec((BN, D), lambda i: (i, 0)),
        out_shape=jax.ShapeDtypeStruct((N, D), jnp.float32),
    )(partial, stats, b, g, bb)


def kernel(x, edge_index, selections, W, b, bn_weight, bn_bias):
    src = edge_index[0].astype(jnp.int32)
    dst = edge_index[1].astype(jnp.int32)
    sel = selections.astype(jnp.int32)

    gidx = sel * N + src
    pad = EPAD - E
    gidx = jnp.concatenate([gidx, jnp.zeros((pad,), jnp.int32)])
    dstp = jnp.concatenate([dst, jnp.full((pad,), N, jnp.int32)])
    gidx = gidx.reshape(NW * NCHUNK, CHUNK)
    dstp = dstp.reshape(NW * NCHUNK, CHUNK)

    xk_a, xk_b = _xk_table(x, W)
    zeros = jnp.zeros((NACC, D), jnp.float32)
    partial = _gather_scatter(xk_a.reshape(K * N, D), xk_b.reshape(K * N, D),
                              gidx, dstp, zeros)
    return _finalize(partial, b.reshape(1, D), bn_weight.reshape(1, D),
                     bn_bias.reshape(1, D))

# --- scband reference (transcript-rebuilt; emitter-appended) ---
"""Pipeline reference for scband-conv-43516608643442 (READ-ONLY COPY).

The authoritative reference and input builder live on the scoring server;
editing this copy changes nothing except your own understanding.
"""

import jax, jax.numpy as jnp
import numpy as np

N_NODES = 10000
N_EDGES = 320000
D_IN = 128
D_OUT = 128
K = 9


def setup_inputs(seed: int = 0) -> dict:
    key = jax.random.key(seed)
    k1, k2, k3, k4, k5, k6, k7 = jax.random.split(key, 7)
    x = jax.random.normal(k1, (N_NODES, D_IN), dtype=jnp.float32)
    edge_index = jax.random.randint(k2, (2, N_EDGES), 0, N_NODES, dtype=jnp.int64)
    selections = jax.random.randint(k3, (N_EDGES,), 0, K, dtype=jnp.int64)
    # SelectionConv parameters: one weight matrix per selection direction + bias
    scale = 1.0 / np.sqrt(D_IN)
    W = jax.random.normal(k4, (K, D_IN, D_OUT), dtype=jnp.float32) * scale
    b = jax.random.normal(k5, (D_OUT,), dtype=jnp.float32) * 0.01
    # BatchNorm1d affine parameters
    bn_weight = jnp.ones((D_OUT,), dtype=jnp.float32)
    bn_bias = jnp.zeros((D_OUT,), dtype=jnp.float32)
    return {"x": x, "edge_index": edge_index, "selections": selections,
            "W": W, "b": b, "bn_weight": bn_weight, "bn_bias": bn_bias}


def reference(x, edge_index, selections, W, b, bn_weight, bn_bias):
    # SelectionConv message passing:
    #   y_i = bias + sum_{(j->i) in E} W[sel(e)] @ x_j
    src = edge_index[0]
    dst = edge_index[1]
    # Pre-transform node features with each of the K selection kernels,
    # then gather the (selection, src)-specific transformed feature per edge.
    xk = jnp.einsum('nd,kdo->kno', x, W)            # [K, N, D_OUT]
    msgs = xk[selections, src]                       # [E, D_OUT] gather
    agg = jnp.zeros((x.shape[0], W.shape[2]), dtype=x.dtype).at[dst].add(msgs)  # scatter-add
    out = agg + b
    # BatchNorm1d (training mode: batch statistics over nodes, biased variance)
    mean = jnp.mean(out, axis=0)
    var = jnp.var(out, axis=0)
    out = (out - mean) / jnp.sqrt(var + 1e-5) * bn_weight + bn_bias
    # ELU activation
    return jax.nn.elu(out)

if __name__ == "__main__":
    import jax
    _d = setup_inputs()
    print(jax.jit(kernel)(*tuple(_d.values())))

</pallas_src>

<mosaic_0001>
#map = affine_map<(d0, d1) -> (0, 0)>
#map1 = affine_map<(d0, d1) -> (0, 0, 0)>
module attributes {stable_mosaic.version = 14 : i64} {
  func.func @_sc_body(%arg0: i32, %arg1: i32, %arg2: memref<90000x128xf32, #tpu.memory_space<hbm>>, %arg3: memref<90000x128xf32, #tpu.memory_space<hbm>>, %arg4: memref<2560x128xi32, #tpu.memory_space<hbm>>, %arg5: memref<2560x128xi32, #tpu.memory_space<hbm>>, %arg6: memref<10112x128xf32, #tpu.memory_space<hbm>>, %arg7: memref<2x10112x128xf32, #tpu.memory_space<hbm>>, %arg8: memref<40x128xi32, #tpu.memory_space<vmem>>, %arg9: memref<40x128xi32, #tpu.memory_space<vmem>>, %arg10: memref<256x128xf32, #tpu.memory_space<vmem>>, %arg11: memref<10112x128xf32, #tpu.memory_space<vmem_shared>>, %arg12: memref<!tpu.dma_semaphore, #tpu.memory_space<semaphore_mem>>) attributes {dimension_semantics = [#tpu.dimension_semantics<core_parallel>, #tpu.dimension_semantics<subcore_parallel>], iteration_bounds = array<i64: 2, 16>, scalar_prefetch = 0 : i64, scratch_operands = 5 : i64, tpu.core_type = #tpu.core_type<sc_vector_subcore>, window_params = [{transform_indices = #map}, {transform_indices = #map}, {transform_indices = #map}, {transform_indices = #map}, {transform_indices = #map}, {transform_indices = #map1}]} {
    %mul3A = arith.constant 16 : i32
    %mul3A_0 = arith.muli %arg0, %mul3A : i32
    %add3A = arith.addi %mul3A_0, %arg1 : i32
    %mul3A_1 = arith.constant 632 : i32
    %mul3A_2 = arith.muli %arg1, %mul3A_1 : i32
    %mul3A_3 = arith.constant 632 : i32
    %mul3A_4 = arith.muli %arg1, %mul3A_3 : i32
    "tpu.region"() ({
      %run_scoped3A = tpu.sem_alloc : memref<!tpu.dma_semaphore, #tpu.memory_space<semaphore_mem>>
      %dma_start3A = arith.constant 0 : i32
      %dma_start3A_29 = tpu.memref_slice %arg11[%mul3A_4, %dma_start3A] : memref<10112x128xf32, #tpu.memory_space<vmem_shared>> -> memref<632x128xf32, #tpu.memory_space<vmem_shared>>
      %dma_start3A_30 = arith.constant 0 : i32
      %dma_start3A_31 = tpu.memref_slice %arg6[%mul3A_2, %dma_start3A_30] : memref<10112x128xf32, #tpu.memory_space<hbm>> -> memref<632x128xf32, #tpu.memory_space<hbm>>
      tpu.enqueue_dma source(%dma_start3A_31 : memref<632x128xf32, #tpu.memory_space<hbm>>) target(%dma_start3A_29 : memref<632x128xf32, #tpu.memory_space<vmem_shared>>) target_semaphore(%run_scoped3A : memref<!tpu.dma_semaphore, #tpu.memory_space<semaphore_mem>>)
      %dma_wait3A = arith.constant 0 : i32
      %dma_wait3A_32 = tpu.memref_slice %arg11[%mul3A_4, %dma_wait3A] : memref<10112x128xf32, #tpu.memory_space<vmem_shared>> -> memref<632x128xf32, #tpu.memory_space<vmem_shared>>
      %dma_wait3A_33 = arith.constant 0 : i32
      %dma_wait3A_34 = tpu.memref_slice %arg6[%mul3A_2, %dma_wait3A_33] : memref<10112x128xf32, #tpu.memory_space<hbm>> -> memref<632x128xf32, #tpu.memory_space<hbm>>
      tpu.wait_dma2 semaphore(%run_scoped3A : memref<!tpu.dma_semaphore, #tpu.memory_space<semaphore_mem>>) src(%dma_wait3A_34 : memref<632x128xf32, #tpu.memory_space<hbm>>) dst(%dma_wait3A_32 : memref<632x128xf32, #tpu.memory_space<vmem_shared>>)
      tpu.yield
    }) : () -> ()
    %barrier3A = arith.constant 0 : index
    tpu.barrier barrier_id(%barrier3A)
    %mul3A_5 = arith.constant 80 : i32
    %mul3A_6 = arith.muli %add3A, %mul3A_5 : i32
    %add3A_7 = arith.constant 0 : i32
    %add3A_8 = arith.addi %mul3A_6, %add3A_7 : i32
    "tpu.region"() ({
      %run_scoped3A = tpu.sem_alloc : memref<!tpu.dma_semaphore, #tpu.memory_space<semaphore_mem>>
      %dma_start3A = arith.constant 0 : i32
      %dma_start3A_29 = tpu.memref_slice %arg4[%add3A_8, %dma_start3A] : memref<2560x128xi32, #tpu.memory_space<hbm>> -> memref<40x128xi32, #tpu.memory_space<hbm>>
      %dma_start3A_30 = arith.constant 0 : i32
      %dma_start3A_31 = tpu.memref_slice %arg4[%add3A_8, %dma_start3A_30] : memref<2560x128xi32, #tpu.memory_space<hbm>> -> memref<40x128xi32, #tpu.memory_space<hbm>>
      tpu.enqueue_dma source(%dma_start3A_31 : memref<40x128xi32, #tpu.memory_space<hbm>>) target(%arg8 : memref<40x128xi32, #tpu.memory_space<vmem>>) target_semaphore(%run_scoped3A : memref<!tpu.dma_semaphore, #tpu.memory_space<semaphore_mem>>)
      %dma_wait3A = arith.constant 0 : i32
      %dma_wait3A_32 = tpu.memref_slice %arg4[%add3A_8, %dma_wait3A] : memref<2560x128xi32, #tpu.memory_space<hbm>> -> memref<40x128xi32, #tpu.memory_space<hbm>>
      %dma_wait3A_33 = arith.constant 0 : i32
      %dma_wait3A_34 = tpu.memref_slice %arg4[%add3A_8, %dma_wait3A_33] : memref<2560x128xi32, #tpu.memory_space<hbm>> -> memref<40x128xi32, #tpu.memory_space<hbm>>
      tpu.wait_dma2 semaphore(%run_scoped3A : memref<!tpu.dma_semaphore, #tpu.memory_space<semaphore_mem>>) src(%dma_wait3A_34 : memref<40x128xi32, #tpu.memory_space<hbm>>) dst(%arg8 : memref<40x128xi32, #tpu.memory_space<vmem>>)
      tpu.yield
    }) : () -> ()
    "tpu.region"() ({
      %run_scoped3A = tpu.sem_alloc : memref<!tpu.dma_semaphore, #tpu.memory_space<semaphore_mem>>
      %dma_start3A = arith.constant 0 : i32
      %dma_start3A_29 = tpu.memref_slice %arg5[%add3A_8, %dma_start3A] : memref<2560x128xi32, #tpu.memory_space<hbm>> -> memref<40x128xi32, #tpu.memory_space<hbm>>
      %dma_start3A_30 = arith.constant 0 : i32
      %dma_start3A_31 = tpu.memref_slice %arg5[%add3A_8, %dma_start3A_30] : memref<2560x128xi32, #tpu.memory_space<hbm>> -> memref<40x128xi32, #tpu.memory_space<hbm>>
      tpu.enqueue_dma source(%dma_start3A_31 : memref<40x128xi32, #tpu.memory_space<hbm>>) target(%arg9 : memref<40x128xi32, #tpu.memory_space<vmem>>) target_semaphore(%run_scoped3A : memref<!tpu.dma_semaphore, #tpu.memory_space<semaphore_mem>>)
      %dma_wait3A = arith.constant 0 : i32
      %dma_wait3A_32 = tpu.memref_slice %arg5[%add3A_8, %dma_wait3A] : memref<2560x128xi32, #tpu.memory_space<hbm>> -> memref<40x128xi32, #tpu.memory_space<hbm>>
      %dma_wait3A_33 = arith.constant 0 : i32
      %dma_wait3A_34 = tpu.memref_slice %arg5[%add3A_8, %dma_wait3A_33] : memref<2560x128xi32, #tpu.memory_space<hbm>> -> memref<40x128xi32, #tpu.memory_space<hbm>>
      tpu.wait_dma2 semaphore(%run_scoped3A : memref<!tpu.dma_semaphore, #tpu.memory_space<semaphore_mem>>) src(%dma_wait3A_34 : memref<40x128xi32, #tpu.memory_space<hbm>>) dst(%arg9 : memref<40x128xi32, #tpu.memory_space<vmem>>)
      tpu.yield
    }) : () -> ()
    %scan3A = arith.constant 0 : i32
    %scan3A_9 = arith.constant 0 : i32
    %scan3A_10 = arith.constant 40 : i32
    %scan3A_11 = arith.addi %scan3A_9, %scan3A_10 : i32
    %scan3A_12 = arith.constant 1 : i32
    scf.for %scan3A_29 = %scan3A_9 to %scan3A_11 step %scan3A_12  : i32 {
      %eq3A = arith.constant 0 : i32
      %eq3A_30 = arith.cmpi eq, %arg0, %eq3A : i32
      %convert_element_type3A = arith.extui %eq3A_30 : i1 to i32
      %cond3A = arith.constant 0 : i32
      %cond3A_31 = arith.cmpi ne, %convert_element_type3A, %cond3A : i32
      scf.if %cond3A_31 {
        %dma_start3A = arith.constant 0 : i32
        %dma_start3A_45 = arith.constant 0 : i32
        %dma_start3A_46 = tpu.memref_slice %arg10[%dma_start3A, %dma_start3A_45] : memref<256x128xf32, #tpu.memory_space<vmem>> -> memref<128x128xf32, #tpu.memory_space<vmem>>
        %dma_start3A_47 = arith.constant 0 : i32
        %dma_start3A_48 = tpu.memref_slice %arg8[%scan3A_29, %dma_start3A_47] : memref<40x128xi32, #tpu.memory_space<vmem>> -> memref<1x128xi32, #tpu.memory_space<vmem>>
        %dma_start3A_49 = tpu.memref_squeeze %dma_start3A_48 : memref<1x128xi32, #tpu.memory_space<vmem>> -> memref<128xi32, #tpu.memory_space<vmem>>
        %dma_start3A_50 = arith.constant 0 : i32
        %dma_start3A_51 = arith.constant 0 : i32
        %dma_start3A_52 = tpu.memref_slice %arg2[%dma_start3A_50, %dma_start3A_51] : memref<90000x128xf32, #tpu.memory_space<hbm>> -> memref<90000x128xf32, #tpu.memory_space<hbm>>
        tpu.enqueue_indirect_dma source(%dma_start3A_52 : memref<90000x128xf32, #tpu.memory_space<hbm>>) target(%dma_start3A_46 : memref<128x128xf32, #tpu.memory_space<vmem>>) offsets(%dma_start3A_49 : memref<128xi32, #tpu.memory_space<vmem>>) semaphore(%arg12 : memref<!tpu.dma_semaphore, #tpu.memory_space<semaphore_mem>>)
      } else {
      }
      %eq3A_32 = arith.constant 1 : i32
      %eq3A_33 = arith.cmpi eq, %arg0, %eq3A_32 : i32
      %convert_element_type3A_34 = arith.extui %eq3A_33 : i1 to i32
      %cond3A_35 = arith.constant 0 : i32
      %cond3A_36 = arith.cmpi ne, %convert_element_type3A_34, %cond3A_35 : i32
      scf.if %cond3A_36 {
        %dma_start3A = arith.constant 0 : i32
        %dma_start3A_45 = arith.constant 0 : i32
        %dma_start3A_46 = tpu.memref_slice %arg10[%dma_start3A, %dma_start3A_45] : memref<256x128xf32, #tpu.memory_space<vmem>> -> memref<128x128xf32, #tpu.memory_space<vmem>>
        %dma_start3A_47 = arith.constant 0 : i32
        %dma_start3A_48 = tpu.memref_slice %arg8[%scan3A_29, %dma_start3A_47] : memref<40x128xi32, #tpu.memory_space<vmem>> -> memref<1x128xi32, #tpu.memory_space<vmem>>
        %dma_start3A_49 = tpu.memref_squeeze %dma_start3A_48 : memref<1x128xi32, #tpu.memory_space<vmem>> -> memref<128xi32, #tpu.memory_space<vmem>>
        %dma_start3A_50 = arith.constant 0 : i32
        %dma_start3A_51 = arith.constant 0 : i32
        %dma_start3A_52 = tpu.memref_slice %arg3[%dma_start3A_50, %dma_start3A_51] : memref<90000x128xf32, #tpu.memory_space<hbm>> -> memref<90000x128xf32, #tpu.memory_space<hbm>>
        tpu.enqueue_indirect_dma source(%dma_start3A_52 : memref<90000x128xf32, #tpu.memory_space<hbm>>) target(%dma_start3A_46 : memref<128x128xf32, #tpu.memory_space<vmem>>) offsets(%dma_start3A_49 : memref<128xi32, #tpu.memory_space<vmem>>) semaphore(%arg12 : memref<!tpu.dma_semaphore, #tpu.memory_space<semaphore_mem>>)
      } else {
      }
      %dma_wait3A = arith.constant 0 : i32
      %dma_wait3A_37 = arith.constant 0 : i32
      %dma_wait3A_38 = tpu.memref_slice %arg10[%dma_wait3A, %dma_wait3A_37] : memref<256x128xf32, #tpu.memory_space<vmem>> -> memref<128x128xf32, #tpu.memory_space<vmem>>
      %dma_wait3A_39 = arith.constant 0 : i32
      %dma_wait3A_40 = tpu.memref_slice %arg8[%scan3A_29, %dma_wait3A_39] : memref<40x128xi32, #tpu.memory_space<vmem>> -> memref<1x128xi32, #tpu.memory_space<vmem>>
      %dma_wait3A_41 = tpu.memref_squeeze %dma_wait3A_40 : memref<1x128xi32, #tpu.memory_space<vmem>> -> memref<128xi32, #tpu.memory_space<vmem>>
      %dma_wait3A_42 = arith.constant 0 : i32
      %dma_wait3A_43 = arith.constant 0 : i32
      %dma_wait3A_44 = tpu.memref_slice %arg2[%dma_wait3A_42, %dma_wait3A_43] : memref<90000x128xf32, #tpu.memory_space<hbm>> -> memref<90000x128xf32, #tpu.memory_space<hbm>>
      tpu.wait_indirect_dma semaphore(%arg12 : memref<!tpu.dma_semaphore, #tpu.memory_space<semaphore_mem>>) src(%dma_wait3A_44 : memref<90000x128xf32, #tpu.memory_space<hbm>>) dst(%dma_wait3A_38 : memref<128x128xf32, #tpu.memory_space<vmem>>)
      "tpu.region"() ({
        %run_scoped3A = tpu.sem_alloc : memref<!tpu.dma_semaphore, #tpu.memory_space<semaphore_mem>>
        %dma_start3A = arith.constant 0 : i32
        %dma_start3A_45 = arith.constant 0 : i32
        %dma_start3A_46 = tpu.memref_slice %arg10[%dma_start3A, %dma_start3A_45] : memref<256x128xf32, #tpu.memory_space<vmem>> -> memref<128x128xf32, #tpu.memory_space<vmem>>
        %dma_start3A_47 = arith.constant 0 : i32
        %dma_start3A_48 = tpu.memref_slice %arg9[%scan3A_29, %dma_start3A_47] : memref<40x128xi32, #tpu.memory_space<vmem>> -> memref<1x128xi32, #tpu.memory_space<vmem>>
        %dma_start3A_49 = tpu.memref_squeeze %dma_start3A_48 : memref<1x128xi32, #tpu.memory_space<vmem>> -> memref<128xi32, #tpu.memory_space<vmem>>
        %dma_start3A_50 = arith.constant 0 : i32
        %dma_start3A_51 = arith.constant 0 : i32
        %dma_start3A_52 = tpu.memref_slice %arg11[%dma_start3A_50, %dma_start3A_51] : memref<10112x128xf32, #tpu.memory_space<vmem_shared>> -> memref<10112x128xf32, #tpu.memory_space<vmem_shared>>
        tpu.enqueue_indirect_dma source(%dma_start3A_46 : memref<128x128xf32, #tpu.memory_space<vmem>>) target(%dma_start3A_52 : memref<10112x128xf32, #tpu.memory_space<vmem_shared>>) offsets(%dma_start3A_49 : memref<128xi32, #tpu.memory_space<vmem>>) semaphore(%run_scoped3A : memref<!tpu.dma_semaphore, #tpu.memory_space<semaphore_mem>>) {add = true}
        %dma_wait3A_53 = arith.constant 0 : i32
        %dma_wait3A_54 = arith.constant 0 : i32
        %dma_wait3A_55 = tpu.memref_slice %arg10[%dma_wait3A_53, %dma_wait3A_54] : memref<256x128xf32, #tpu.memory_space<vmem>> -> memref<128x128xf32, #tpu.memory_space<vmem>>
        %dma_wait3A_56 = arith.constant 0 : i32
        %dma_wait3A_57 = tpu.memref_slice %arg9[%scan3A_29, %dma_wait3A_56] : memref<40x128xi32, #tpu.memory_space<vmem>> -> memref<1x128xi32, #tpu.memory_space<vmem>>
        %dma_wait3A_58 = tpu.memref_squeeze %dma_wait3A_57 : memref<1x128xi32, #tpu.memory_space<vmem>> -> memref<128xi32, #tpu.memory_space<vmem>>
        %dma_wait3A_59 = arith.constant 0 : i32
        %dma_wait3A_60 = arith.constant 0 : i32
        %dma_wait3A_61 = tpu.memref_slice %arg11[%dma_wait3A_59, %dma_wait3A_60] : memref<10112x128xf32, #tpu.memory_space<vmem_shared>> -> memref<10112x128xf32, #tpu.memory_space<vmem_shared>>
        tpu.wait_indirect_dma semaphore(%run_scoped3A : memref<!tpu.dma_semaphore, #tpu.memory_space<semaphore_mem>>) src(%dma_wait3A_55 : memref<128x128xf32, #tpu.memory_space<vmem>>) dst(%dma_wait3A_61 : memref<10112x128xf32, #tpu.memory_space<vmem_shared>>)
        tpu.yield
      }) : () -> ()
    }
    %scan3A_13 = arith.constant 40 : i32
    %mul3A_14 = arith.constant 80 : i32
    %mul3A_15 = arith.muli %add3A, %mul3A_14 : i32
    %add3A_16 = arith.constant 40 : i32
    %add3A_17 = arith.addi %mul3A_15, %add3A_16 : i32
    "tpu.region"() ({
      %run_scoped3A = tpu.sem_alloc : memref<!tpu.dma_semaphore, #tpu.memory_space<semaphore_mem>>
      %dma_start3A = arith.constant 0 : i32
      %dma_start3A_29 = tpu.memref_slice %arg4[%add3A_17, %dma_start3A] : memref<2560x128xi32, #tpu.memory_space<hbm>> -> memref<40x128xi32, #tpu.memory_space<hbm>>
      %dma_start3A_30 = arith.constant 0 : i32
      %dma_start3A_31 = tpu.memref_slice %arg4[%add3A_17, %dma_start3A_30] : memref<2560x128xi32, #tpu.memory_space<hbm>> -> memref<40x128xi32, #tpu.memory_space<hbm>>
      tpu.enqueue_dma source(%dma_start3A_31 : memref<40x128xi32, #tpu.memory_space<hbm>>) target(%arg8 : memref<40x128xi32, #tpu.memory_space<vmem>>) target_semaphore(%run_scoped3A : memref<!tpu.dma_semaphore, #tpu.memory_space<semaphore_mem>>)
      %dma_wait3A = arith.constant 0 : i32
      %dma_wait3A_32 = tpu.memref_slice %arg4[%add3A_17, %dma_wait3A] : memref<2560x128xi32, #tpu.memory_space<hbm>> -> memref<40x128xi32, #tpu.memory_space<hbm>>
      %dma_wait3A_33 = arith.constant 0 : i32
      %dma_wait3A_34 = tpu.memref_slice %arg4[%add3A_17, %dma_wait3A_33] : memref<2560x128xi32, #tpu.memory_space<hbm>> -> memref<40x128xi32, #tpu.memory_space<hbm>>
      tpu.wait_dma2 semaphore(%run_scoped3A : memref<!tpu.dma_semaphore, #tpu.memory_space<semaphore_mem>>) src(%dma_wait3A_34 : memref<40x128xi32, #tpu.memory_space<hbm>>) dst(%arg8 : memref<40x128xi32, #tpu.memory_space<vmem>>)
      tpu.yield
    }) : () -> ()
    "tpu.region"() ({
      %run_scoped3A = tpu.sem_alloc : memref<!tpu.dma_semaphore, #tpu.memory_space<semaphore_mem>>
      %dma_start3A = arith.constant 0 : i32
      %dma_start3A_29 = tpu.memref_slice %arg5[%add3A_17, %dma_start3A] : memref<2560x128xi32, #tpu.memory_space<hbm>> -> memref<40x128xi32, #tpu.memory_space<hbm>>
      %dma_start3A_30 = arith.constant 0 : i32
      %dma_start3A_31 = tpu.memref_slice %arg5[%add3A_17, %dma_start3A_30] : memref<2560x128xi32, #tpu.memory_space<hbm>> -> memref<40x128xi32, #tpu.memory_space<hbm>>
      tpu.enqueue_dma source(%dma_start3A_31 : memref<40x128xi32, #tpu.memory_space<hbm>>) target(%arg9 : memref<40x128xi32, #tpu.memory_space<vmem>>) target_semaphore(%run_scoped3A : memref<!tpu.dma_semaphore, #tpu.memory_space<semaphore_mem>>)
      %dma_wait3A = arith.constant 0 : i32
      %dma_wait3A_32 = tpu.memref_slice %arg5[%add3A_17, %dma_wait3A] : memref<2560x128xi32, #tpu.memory_space<hbm>> -> memref<40x128xi32, #tpu.memory_space<hbm>>
      %dma_wait3A_33 = arith.constant 0 : i32
      %dma_wait3A_34 = tpu.memref_slice %arg5[%add3A_17, %dma_wait3A_33] : memref<2560x128xi32, #tpu.memory_space<hbm>> -> memref<40x128xi32, #tpu.memory_space<hbm>>
      tpu.wait_dma2 semaphore(%run_scoped3A : memref<!tpu.dma_semaphore, #tpu.memory_space<semaphore_mem>>) src(%dma_wait3A_34 : memref<40x128xi32, #tpu.memory_space<hbm>>) dst(%arg9 : memref<40x128xi32, #tpu.memory_space<vmem>>)
      tpu.yield
    }) : () -> ()
    %scan3A_18 = arith.constant 0 : i32
    %scan3A_19 = arith.constant 0 : i32
    %scan3A_20 = arith.constant 40 : i32
    %scan3A_21 = arith.addi %scan3A_19, %scan3A_20 : i32
    %scan3A_22 = arith.constant 1 : i32
    scf.for %scan3A_29 = %scan3A_19 to %scan3A_21 step %scan3A_22  : i32 {
      %eq3A = arith.constant 0 : i32
      %eq3A_30 = arith.cmpi eq, %arg0, %eq3A : i32
      %convert_element_type3A = arith.extui %eq3A_30 : i1 to i32
      %cond3A = arith.constant 0 : i32
      %cond3A_31 = arith.cmpi ne, %convert_element_type3A, %cond3A : i32
      scf.if %cond3A_31 {
        %dma_start3A = arith.constant 0 : i32
        %dma_start3A_45 = arith.constant 0 : i32
        %dma_start3A_46 = tpu.memref_slice %arg10[%dma_start3A, %dma_start3A_45] : memref<256x128xf32, #tpu.memory_space<vmem>> -> memref<128x128xf32, #tpu.memory_space<vmem>>
        %dma_start3A_47 = arith.constant 0 : i32
        %dma_start3A_48 = tpu.memref_slice %arg8[%scan3A_29, %dma_start3A_47] : memref<40x128xi32, #tpu.memory_space<vmem>> -> memref<1x128xi32, #tpu.memory_space<vmem>>
        %dma_start3A_49 = tpu.memref_squeeze %dma_start3A_48 : memref<1x128xi32, #tpu.memory_space<vmem>> -> memref<128xi32, #tpu.memory_space<vmem>>
        %dma_start3A_50 = arith.constant 0 : i32
        %dma_start3A_51 = arith.constant 0 : i32
        %dma_start3A_52 = tpu.memref_slice %arg2[%dma_start3A_50, %dma_start3A_51] : memref<90000x128xf32, #tpu.memory_space<hbm>> -> memref<90000x128xf32, #tpu.memory_space<hbm>>
        tpu.enqueue_indirect_dma source(%dma_start3A_52 : memref<90000x128xf32, #tpu.memory_space<hbm>>) target(%dma_start3A_46 : memref<128x128xf32, #tpu.memory_space<vmem>>) offsets(%dma_start3A_49 : memref<128xi32, #tpu.memory_space<vmem>>) semaphore(%arg12 : memref<!tpu.dma_semaphore, #tpu.memory_space<semaphore_mem>>)
      } else {
      }
      %eq3A_32 = arith.constant 1 : i32
      %eq3A_33 = arith.cmpi eq, %arg0, %eq3A_32 : i32
      %convert_element_type3A_34 = arith.extui %eq3A_33 : i1 to i32
      %cond3A_35 = arith.constant 0 : i32
      %cond3A_36 = arith.cmpi ne, %convert_element_type3A_34, %cond3A_35 : i32
      scf.if %cond3A_36 {
        %dma_start3A = arith.constant 0 : i32
        %dma_start3A_45 = arith.constant 0 : i32
        %dma_start3A_46 = tpu.memref_slice %arg10[%dma_start3A, %dma_start3A_45] : memref<256x128xf32, #tpu.memory_space<vmem>> -> memref<128x128xf32, #tpu.memory_space<vmem>>
        %dma_start3A_47 = arith.constant 0 : i32
        %dma_start3A_48 = tpu.memref_slice %arg8[%scan3A_29, %dma_start3A_47] : memref<40x128xi32, #tpu.memory_space<vmem>> -> memref<1x128xi32, #tpu.memory_space<vmem>>
        %dma_start3A_49 = tpu.memref_squeeze %dma_start3A_48 : memref<1x128xi32, #tpu.memory_space<vmem>> -> memref<128xi32, #tpu.memory_space<vmem>>
        %dma_start3A_50 = arith.constant 0 : i32
        %dma_start3A_51 = arith.constant 0 : i32
        %dma_start3A_52 = tpu.memref_slice %arg3[%dma_start3A_50, %dma_start3A_51] : memref<90000x128xf32, #tpu.memory_space<hbm>> -> memref<90000x128xf32, #tpu.memory_space<hbm>>
        tpu.enqueue_indirect_dma source(%dma_start3A_52 : memref<90000x128xf32, #tpu.memory_space<hbm>>) target(%dma_start3A_46 : memref<128x128xf32, #tpu.memory_space<vmem>>) offsets(%dma_start3A_49 : memref<128xi32, #tpu.memory_space<vmem>>) semaphore(%arg12 : memref<!tpu.dma_semaphore, #tpu.memory_space<semaphore_mem>>)
      } else {
      }
      %dma_wait3A = arith.constant 0 : i32
      %dma_wait3A_37 = arith.constant 0 : i32
      %dma_wait3A_38 = tpu.memref_slice %arg10[%dma_wait3A, %dma_wait3A_37] : memref<256x128xf32, #tpu.memory_space<vmem>> -> memref<128x128xf32, #tpu.memory_space<vmem>>
      %dma_wait3A_39 = arith.constant 0 : i32
      %dma_wait3A_40 = tpu.memref_slice %arg8[%scan3A_29, %dma_wait3A_39] : memref<40x128xi32, #tpu.memory_space<vmem>> -> memref<1x128xi32, #tpu.memory_space<vmem>>
      %dma_wait3A_41 = tpu.memref_squeeze %dma_wait3A_40 : memref<1x128xi32, #tpu.memory_space<vmem>> -> memref<128xi32, #tpu.memory_space<vmem>>
      %dma_wait3A_42 = arith.constant 0 : i32
      %dma_wait3A_43 = arith.constant 0 : i32
      %dma_wait3A_44 = tpu.memref_slice %arg2[%dma_wait3A_42, %dma_wait3A_43] : memref<90000x128xf32, #tpu.memory_space<hbm>> -> memref<90000x128xf32, #tpu.memory_space<hbm>>
      tpu.wait_indirect_dma semaphore(%arg12 : memref<!tpu.dma_semaphore, #tpu.memory_space<semaphore_mem>>) src(%dma_wait3A_44 : memref<90000x128xf32, #tpu.memory_space<hbm>>) dst(%dma_wait3A_38 : memref<128x128xf32, #tpu.memory_space<vmem>>)
      "tpu.region"() ({
        %run_scoped3A = tpu.sem_alloc : memref<!tpu.dma_semaphore, #tpu.memory_space<semaphore_mem>>
        %dma_start3A = arith.constant 0 : i32
        %dma_start3A_45 = arith.constant 0 : i32
        %dma_start3A_46 = tpu.memref_slice %arg10[%dma_start3A, %dma_start3A_45] : memref<256x128xf32, #tpu.memory_space<vmem>> -> memref<128x128xf32, #tpu.memory_space<vmem>>
        %dma_start3A_47 = arith.constant 0 : i32
        %dma_start3A_48 = tpu.memref_slice %arg9[%scan3A_29, %dma_start3A_47] : memref<40x128xi32, #tpu.memory_space<vmem>> -> memref<1x128xi32, #tpu.memory_space<vmem>>
        %dma_start3A_49 = tpu.memref_squeeze %dma_start3A_48 : memref<1x128xi32, #tpu.memory_space<vmem>> -> memref<128xi32, #tpu.memory_space<vmem>>
        %dma_start3A_50 = arith.constant 0 : i32
        %dma_start3A_51 = arith.constant 0 : i32
        %dma_start3A_52 = tpu.memref_slice %arg11[%dma_start3A_50, %dma_start3A_51] : memref<10112x128xf32, #tpu.memory_space<vmem_shared>> -> memref<10112x128xf32, #tpu.memory_space<vmem_shared>>
        tpu.enqueue_indirect_dma source(%dma_start3A_46 : memref<128x128xf32, #tpu.memory_space<vmem>>) target(%dma_start3A_52 : memref<10112x128xf32, #tpu.memory_space<vmem_shared>>) offsets(%dma_start3A_49 : memref<128xi32, #tpu.memory_space<vmem>>) semaphore(%run_scoped3A : memref<!tpu.dma_semaphore, #tpu.memory_space<semaphore_mem>>) {add = true}
        %dma_wait3A_53 = arith.constant 0 : i32
        %dma_wait3A_54 = arith.constant 0 : i32
        %dma_wait3A_55 = tpu.memref_slice %arg10[%dma_wait3A_53, %dma_wait3A_54] : memref<256x128xf32, #tpu.memory_space<vmem>> -> memref<128x128xf32, #tpu.memory_space<vmem>>
        %dma_wait3A_56 = arith.constant 0 : i32
        %dma_wait3A_57 = tpu.memref_slice %arg9[%scan3A_29, %dma_wait3A_56] : memref<40x128xi32, #tpu.memory_space<vmem>> -> memref<1x128xi32, #tpu.memory_space<vmem>>
        %dma_wait3A_58 = tpu.memref_squeeze %dma_wait3A_57 : memref<1x128xi32, #tpu.memory_space<vmem>> -> memref<128xi32, #tpu.memory_space<vmem>>
        %dma_wait3A_59 = arith.constant 0 : i32
        %dma_wait3A_60 = arith.constant 0 : i32
        %dma_wait3A_61 = tpu.memref_slice %arg11[%dma_wait3A_59, %dma_wait3A_60] : memref<10112x128xf32, #tpu.memory_space<vmem_shared>> -> memref<10112x128xf32, #tpu.memory_space<vmem_shared>>
        tpu.wait_indirect_dma semaphore(%run_scoped3A : memref<!tpu.dma_semaphore, #tpu.memory_space<semaphore_mem>>) src(%dma_wait3A_55 : memref<128x128xf32, #tpu.memory_space<vmem>>) dst(%dma_wait3A_61 : memref<10112x128xf32, #tpu.memory_space<vmem_shared>>)
        tpu.yield
      }) : () -> ()
    }
    %scan3A_23 = arith.constant 40 : i32
    %barrier3A_24 = arith.constant 0 : index
    tpu.barrier barrier_id(%barrier3A_24)
    %mul3A_25 = arith.constant 632 : i32
    %mul3A_26 = arith.muli %arg1, %mul3A_25 : i32
    %mul3A_27 = arith.constant 632 : i32
    %mul3A_28 = arith.muli %arg1, %mul3A_27 : i32
    "tpu.region"() ({
      %run_scoped3A = tpu.sem_alloc : memref<!tpu.dma_semaphore, #tpu.memory_space<semaphore_mem>>
      %dma_start3A = arith.constant 0 : i32
      %dma_start3A_29 = tpu.memref_slice %arg7[%arg0, %mul3A_28, %dma_start3A] : memref<2x10112x128xf32, #tpu.memory_space<hbm>> -> memref<1x632x128xf32, #tpu.memory_space<hbm>>
      %dma_start3A_30 = tpu.memref_squeeze %dma_start3A_29 : memref<1x632x128xf32, #tpu.memory_space<hbm>> -> memref<632x128xf32, #tpu.memory_space<hbm>>
      %dma_start3A_31 = arith.constant 0 : i32
      %dma_start3A_32 = tpu.memref_slice %arg11[%mul3A_26, %dma_start3A_31] : memref<10112x128xf32, #tpu.memory_space<vmem_shared>> -> memref<632x128xf32, #tpu.memory_space<vmem_shared>>
      tpu.enqueue_dma source(%dma_start3A_32 : memref<632x128xf32, #tpu.memory_space<vmem_shared>>) target(%dma_start3A_30 : memref<632x128xf32, #tpu.memory_space<hbm>>) target_semaphore(%run_scoped3A : memref<!tpu.dma_semaphore, #tpu.memory_space<semaphore_mem>>)
      %dma_wait3A = arith.constant 0 : i32
      %dma_wait3A_33 = tpu.memref_slice %arg7[%arg0, %mul3A_28, %dma_wait3A] : memref<2x10112x128xf32, #tpu.memory_space<hbm>> -> memref<1x632x128xf32, #tpu.memory_space<hbm>>
      %dma_wait3A_34 = tpu.memref_squeeze %dma_wait3A_33 : memref<1x632x128xf32, #tpu.memory_space<hbm>> -> memref<632x128xf32, #tpu.memory_space<hbm>>
      %dma_wait3A_35 = arith.constant 0 : i32
      %dma_wait3A_36 = tpu.memref_slice %arg11[%mul3A_26, %dma_wait3A_35] : memref<10112x128xf32, #tpu.memory_space<vmem_shared>> -> memref<632x128xf32, #tpu.memory_space<vmem_shared>>
      tpu.wait_dma2 semaphore(%run_scoped3A : memref<!tpu.dma_semaphore, #tpu.memory_space<semaphore_mem>>) src(%dma_wait3A_36 : memref<632x128xf32, #tpu.memory_space<vmem_shared>>) dst(%dma_wait3A_34 : memref<632x128xf32, #tpu.memory_space<hbm>>)
      tpu.yield
    }) : () -> ()
    return
  }
}

module attributes {stable_mosaic.version = 14 : i64} {
  func.func @_mm_body(%arg0: i32, %arg1: i32, %arg2: memref<2000x128xf32, #tpu.memory_space<vmem>>, %arg3: memref<1x128x128xf32, #tpu.memory_space<vmem>>, %arg4: memref<1x2000x128xf32, #tpu.memory_space<vmem>>, %arg5: memref<1x2000x128xf32, #tpu.memory_space<vmem>>) attributes {dimension_semantics = [#tpu.dimension_semantics<arbitrary>, #tpu.dimension_semantics<arbitrary>], iteration_bounds = array<i64: 5, 9>, scalar_prefetch = 0 : i64, scratch_operands = 0 : i64, tpu.core_type = #tpu.core_type<tc>, window_params = [{transform_indices = @transform_0, window_bounds = array<i64: 2000, 128>}, {transform_indices = @transform_1, window_bounds = array<i64: 1, 128, 128>}, {transform_indices = @transform_2, window_bounds = array<i64: 1, 2000, 128>}, {transform_indices = @transform_3, window_bounds = array<i64: 1, 2000, 128>}]} {
    %get3A = arith.constant 0 : index
    %get3A_0 = arith.constant 0 : index
    %get3A_1 = vector.load %arg2[%get3A, %get3A_0] : memref<2000x128xf32, #tpu.memory_space<vmem>>, vector<2000x128xf32>
    %get3A_2 = arith.constant 0 : index
    %get3A_3 = arith.constant 0 : index
    %get3A_4 = arith.constant 0 : index
    %get3A_5 = vector.load %arg3[%get3A_2, %get3A_3, %get3A_4] : memref<1x128x128xf32, #tpu.memory_space<vmem>>, vector<1x128x128xf32>
    %get3A_6 = vector.shape_cast %get3A_5 : vector<1x128x128xf32> to vector<128x128xf32>
    %dot_general3A = arith.constant dense<0.000000e+00> : vector<2000x128xf32>
    %dot_general3A_7 = tpu.matmul %get3A_1, %get3A_6, %dot_general3A {dimension_numbers = #tpu.dot_dimension_numbers<[1], [0], [0], [1], [0, 0, 1, 1], [], []>, transpose_lhs_hint = false} : vector<2000x128xf32>, vector<128x128xf32>, vector<2000x128xf32> -> vector<2000x128xf32>
    %swap3A = arith.constant 0 : index
    %swap3A_8 = arith.constant 0 : index
    %swap3A_9 = arith.constant 0 : index
    %swap3A_10 = vector.load %arg4[%swap3A, %swap3A_8, %swap3A_9] : memref<1x2000x128xf32, #tpu.memory_space<vmem>>, vector<1x2000x128xf32>
    %swap3A_11 = vector.shape_cast %swap3A_10 : vector<1x2000x128xf32> to vector<2000x128xf32>
    %swap3A_12 = vector.shape_cast %dot_general3A_7 : vector<2000x128xf32> to vector<1x2000x128xf32>
    tpu.vector_store %arg4[%swap3A, %swap3A_8, %swap3A_9], %swap3A_12 {strides = array<i32>} : memref<1x2000x128xf32, #tpu.memory_space<vmem>>, vector<1x2000x128xf32>,
    %swap3A_13 = arith.constant 0 : index
    %swap3A_14 = arith.constant 0 : index
    %swap3A_15 = arith.constant 0 : index
    %swap3A_16 = vector.load %arg5[%swap3A_13, %swap3A_14, %swap3A_15] : memref<1x2000x128xf32, #tpu.memory_space<vmem>>, vector<1x2000x128xf32>
    %swap3A_17 = vector.shape_cast %swap3A_16 : vector<1x2000x128xf32> to vector<2000x128xf32>
    %swap3A_18 = vector.shape_cast %dot_general3A_7 : vector<2000x128xf32> to vector<1x2000x128xf32>
    tpu.vector_store %arg5[%swap3A_13, %swap3A_14, %swap3A_15], %swap3A_18 {strides = array<i32>} : memref<1x2000x128xf32, #tpu.memory_space<vmem>>, vector<1x2000x128xf32>,
    return
  }
  func.func @transform_0(%arg0: i32, %arg1: i32) -> (i32, i32) {
    %c0_i32 = arith.constant 0 : i32
    %c0_i32_0 = arith.constant 0 : i32
    return %arg0, %c0_i32 : i32, i32
  }
  func.func @transform_1(%arg0: i32, %arg1: i32) -> (i32, i32, i32) {
    %c0_i32 = arith.constant 0 : i32
    %c0_i32_0 = arith.constant 0 : i32
    %c0_i32_1 = arith.constant 0 : i32
    return %arg1, %c0_i32, %c0_i32_0 : i32, i32, i32
  }
  func.func @transform_2(%arg0: i32, %arg1: i32) -> (i32, i32, i32) {
    %c0_i32 = arith.constant 0 : i32
    %c0_i32_0 = arith.constant 0 : i32
    return %arg1, %arg0, %c0_i32 : i32, i32, i32
  }
  func.func @transform_3(%arg0: i32, %arg1: i32) -> (i32, i32, i32) {
    %c0_i32 = arith.constant 0 : i32
    %c0_i32_0 = arith.constant 0 : i32
    return %arg1, %arg0, %c0_i32 : i32, i32, i32
  }
}

module attributes {stable_mosaic.version = 14 : i64} {
  func.func @_fin_body(%arg0: i32, %arg1: memref<2x2000x128xf32, #tpu.memory_space<vmem>>, %arg2: memref<2x128xf32, #tpu.memory_space<vmem>>, %arg3: memref<1x128xf32, #tpu.memory_space<vmem>>, %arg4: memref<1x128xf32, #tpu.memory_space<vmem>>, %arg5: memref<1x128xf32, #tpu.memory_space<vmem>>, %arg6: memref<2000x128xf32, #tpu.memory_space<vmem>>) attributes {dimension_semantics = [#tpu.dimension_semantics<arbitrary>], iteration_bounds = array<i64: 5>, scalar_prefetch = 0 : i64, scratch_operands = 0 : i64, tpu.core_type = #tpu.core_type<tc>, window_params = [{transform_indices = @transform_0, window_bounds = array<i64: 2, 2000, 128>}, {pipeline_mode = #tpu.pipeline_mode<synchronous>, transform_indices = @transform_1, window_bounds = array<i64: 2, 128>}, {pipeline_mode = #tpu.pipeline_mode<synchronous>, transform_indices = @transform_2, window_bounds = array<i64: 1, 128>}, {pipeline_mode = #tpu.pipeline_mode<synchronous>, transform_indices = @transform_3, window_bounds = array<i64: 1, 128>}, {pipeline_mode = #tpu.pipeline_mode<synchronous>, transform_indices = @transform_4, window_bounds = array<i64: 1, 128>}, {transform_indices = @transform_5, window_bounds = array<i64: 2000, 128>}]} {
    %get3A = arith.constant 0 : index
    %get3A_0 = arith.constant 0 : index
    %get3A_1 = arith.constant 0 : index
    %get3A_2 = vector.load %arg1[%get3A, %get3A_0, %get3A_1] : memref<2x2000x128xf32, #tpu.memory_space<vmem>>, vector<1x2000x128xf32>
    %get3A_3 = vector.shape_cast %get3A_2 : vector<1x2000x128xf32> to vector<2000x128xf32>
    %get3A_4 = arith.constant 1 : index
    %get3A_5 = arith.constant 0 : index
    %get3A_6 = arith.constant 0 : index
    %get3A_7 = vector.load %arg1[%get3A_4, %get3A_5, %get3A_6] : memref<2x2000x128xf32, #tpu.memory_space<vmem>>, vector<1x2000x128xf32>
    %get3A_8 = vector.shape_cast %get3A_7 : vector<1x2000x128xf32> to vector<2000x128xf32>
    %add3A = arith.addf %get3A_3, %get3A_8 : vector<2000x128xf32>
    %get3A_9 = arith.constant 0 : index
    %get3A_10 = arith.constant 0 : index
    %get3A_11 = vector.load %arg3[%get3A_9, %get3A_10] : memref<1x128xf32, #tpu.memory_space<vmem>>, vector<1x128xf32>
    %add3A_12 = vector.broadcast %get3A_11 : vector<1x128xf32> to vector<2000x128xf32>
    %add3A_13 = arith.addf %add3A, %add3A_12 : vector<2000x128xf32>
    %get3A_14 = arith.constant 0 : index
    %get3A_15 = arith.constant 0 : index
    %get3A_16 = vector.load %arg2[%get3A_14, %get3A_15] : memref<2x128xf32, #tpu.memory_space<vmem>>, vector<1x128xf32>
    %mul3A = arith.constant 9.99999974E-5 : f32
    %mul3A_17 = vector.broadcast %mul3A : f32 to vector<1x128xf32>
    %mul3A_18 = arith.mulf %get3A_16, %mul3A_17 : vector<1x128xf32>
    %get3A_19 = arith.constant 0 : index
    %get3A_20 = arith.constant 0 : index
    %get3A_21 = vector.load %arg3[%get3A_19, %get3A_20] : memref<1x128xf32, #tpu.memory_space<vmem>>, vector<1x128xf32>
    %add3A_22 = arith.addf %mul3A_18, %get3A_21 : vector<1x128xf32>
    %get3A_23 = arith.constant 1 : index
    %get3A_24 = arith.constant 0 : index
    %get3A_25 = vector.load %arg2[%get3A_23, %get3A_24] : memref<2x128xf32, #tpu.memory_space<vmem>>, vector<1x128xf32>
    %mul3A_26 = arith.constant 9.99999974E-5 : f32
    %mul3A_27 = vector.broadcast %mul3A_26 : f32 to vector<1x128xf32>
    %mul3A_28 = arith.mulf %get3A_25, %mul3A_27 : vector<1x128xf32>
    %mul3A_29 = arith.mulf %mul3A_18, %mul3A_18 : vector<1x128xf32>
    %sub3A = arith.subf %mul3A_28, %mul3A_29 : vector<1x128xf32>
    %sub3A_30 = vector.broadcast %add3A_22 : vector<1x128xf32> to vector<2000x128xf32>
    %sub3A_31 = arith.subf %add3A_13, %sub3A_30 : vector<2000x128xf32>
    %add3A_32 = arith.constant 9.99999974E-6 : f32
    %add3A_33 = vector.broadcast %add3A_32 : f32 to vector<1x128xf32>
    %add3A_34 = arith.addf %sub3A, %add3A_33 : vector<1x128xf32>
    %rsqrt3A = math.rsqrt %add3A_34 : vector<1x128xf32>
    %mul3A_35 = vector.broadcast %rsqrt3A : vector<1x128xf32> to vector<2000x128xf32>
    %mul3A_36 = arith.mulf %sub3A_31, %mul3A_35 : vector<2000x128xf32>
    %get3A_37 = arith.constant 0 : index
    %get3A_38 = arith.constant 0 : index
    %get3A_39 = vector.load %arg4[%get3A_37, %get3A_38] : memref<1x128xf32, #tpu.memory_space<vmem>>, vector<1x128xf32>
    %mul3A_40 = vector.broadcast %get3A_39 : vector<1x128xf32> to vector<2000x128xf32>
    %mul3A_41 = arith.mulf %mul3A_36, %mul3A_40 : vector<2000x128xf32>
    %get3A_42 = arith.constant 0 : index
    %get3A_43 = arith.constant 0 : index
    %get3A_44 = vector.load %arg5[%get3A_42, %get3A_43] : memref<1x128xf32, #tpu.memory_space<vmem>>, vector<1x128xf32>
    %add3A_45 = vector.broadcast %get3A_44 : vector<1x128xf32> to vector<2000x128xf32>
    %add3A_46 = arith.addf %mul3A_41, %add3A_45 : vector<2000x128xf32>
    %gt3A = arith.constant 0.000000e+00 : f32
    %gt3A_47 = vector.broadcast %gt3A : f32 to vector<2000x128xf32>
    %gt3A_48 = arith.cmpf ogt, %add3A_46, %gt3A_47 : vector<2000x128xf32>
    %min3A = arith.constant 0.000000e+00 : f32
    %min3A_49 = vector.broadcast %min3A : f32 to vector<2000x128xf32>
    %min3A_50 = arith.minimumf %add3A_46, %min3A_49 : vector<2000x128xf32>
    %exp3A = math.exp %min3A_50 : vector<2000x128xf32>
    %sub3A_51 = arith.constant 1.000000e+00 : f32
    %sub3A_52 = vector.broadcast %sub3A_51 : f32 to vector<2000x128xf32>
    %sub3A_53 = arith.subf %exp3A, %sub3A_52 : vector<2000x128xf32>
    %select_n3A = arith.select %gt3A_48, %add3A_46, %sub3A_53 : vector<2000x128xi1>, vector<2000x128xf32>
    %swap3A = arith.constant 0 : index
    %swap3A_54 = arith.constant 0 : index
    %swap3A_55 = vector.load %arg6[%swap3A, %swap3A_54] : memref<2000x128xf32, #tpu.memory_space<vmem>>, vector<2000x128xf32>
    tpu.vector_store %arg6[%swap3A, %swap3A_54], %select_n3A {strides = array<i32>} : memref<2000x128xf32, #tpu.memory_space<vmem>>, vector<2000x128xf32>,
    return
  }
  func.func @transform_0(%arg0: i32) -> (i32, i32, i32) {
    %c0_i32 = arith.constant 0 : i32
    %c0_i32_0 = arith.constant 0 : i32
    %c0_i32_1 = arith.constant 0 : i32
    return %c0_i32, %arg0, %c0_i32_0 : i32, i32, i32
  }
  func.func @transform_1(%arg0: i32) -> (i32, i32) {
    %c0_i32 = arith.constant 0 : i32
    %c0_i32_0 = arith.constant 0 : i32
    %c0_i32_1 = arith.constant 0 : i32
    return %c0_i32, %c0_i32_0 : i32, i32
  }
  func.func @transform_2(%arg0: i32) -> (i32, i32) {
    %c0_i32 = arith.constant 0 : i32
    %c0_i32_0 = arith.constant 0 : i32
    %c0_i32_1 = arith.constant 0 : i32
    return %c0_i32, %c0_i32_0 : i32, i32
  }
  func.func @transform_3(%arg0: i32) -> (i32, i32) {
    %c0_i32 = arith.constant 0 : i32
    %c0_i32_0 = arith.constant 0 : i32
    %c0_i32_1 = arith.constant 0 : i32
    return %c0_i32, %c0_i32_0 : i32, i32
  }
  func.func @transform_4(%arg0: i32) -> (i32, i32) {
    %c0_i32 = arith.constant 0 : i32
    %c0_i32_0 = arith.constant 0 : i32
    %c0_i32_1 = arith.constant 0 : i32
    return %c0_i32, %c0_i32_0 : i32, i32
  }
  func.func @transform_5(%arg0: i32) -> (i32, i32) {
    %c0_i32 = arith.constant 0 : i32
    %c0_i32_0 = arith.constant 0 : i32
    return %arg0, %c0_i32 : i32, i32
  }
}

module attributes {stable_mosaic.version = 14 : i64} {
  func.func @_stats_body(%arg0: i32, %arg1: memref<2x2000x128xf32, #tpu.memory_space<vmem>>, %arg2: memref<2x128xf32, #tpu.memory_space<vmem>>) attributes {dimension_semantics = [#tpu.dimension_semantics<arbitrary>], iteration_bounds = array<i64: 5>, scalar_prefetch = 0 : i64, scratch_operands = 0 : i64, tpu.core_type = #tpu.core_type<tc>, window_params = [{transform_indices = @transform_0, window_bounds = array<i64: 2, 2000, 128>}, {pipeline_mode = #tpu.pipeline_mode<synchronous>, transform_indices = @transform_1, window_bounds = array<i64: 2, 128>}]} {
    %get3A = arith.constant 0 : index
    %get3A_0 = arith.constant 0 : index
    %get3A_1 = arith.constant 0 : index
    %get3A_2 = vector.load %arg1[%get3A, %get3A_0, %get3A_1] : memref<2x2000x128xf32, #tpu.memory_space<vmem>>, vector<1x2000x128xf32>
    %get3A_3 = vector.shape_cast %get3A_2 : vector<1x2000x128xf32> to vector<2000x128xf32>
    %get3A_4 = arith.constant 1 : index
    %get3A_5 = arith.constant 0 : index
    %get3A_6 = arith.constant 0 : index
    %get3A_7 = vector.load %arg1[%get3A_4, %get3A_5, %get3A_6] : memref<2x2000x128xf32, #tpu.memory_space<vmem>>, vector<1x2000x128xf32>
    %get3A_8 = vector.shape_cast %get3A_7 : vector<1x2000x128xf32> to vector<2000x128xf32>
    %add3A = arith.addf %get3A_3, %get3A_8 : vector<2000x128xf32>
    %eq3A = arith.constant 0 : i32
    %eq3A_9 = arith.cmpi eq, %arg0, %eq3A : i32
    %convert_element_type3A = arith.extui %eq3A_9 : i1 to i32
    %cond3A = arith.constant 0 : i32
    %cond3A_10 = arith.cmpi ne, %convert_element_type3A, %cond3A : i32
    scf.if %cond3A_10 {
      %broadcast_in_dim3A_28 = arith.constant 0.000000e+00 : f32
      %broadcast_in_dim3A_29 = vector.broadcast %broadcast_in_dim3A_28 : f32 to vector<2x128xf32>
      %swap3A_30 = arith.constant 0 : index
      %swap3A_31 = arith.constant 0 : index
      %swap3A_32 = vector.load %arg2[%swap3A_30, %swap3A_31] : memref<2x128xf32, #tpu.memory_space<vmem>>, vector<2x128xf32>
      tpu.vector_store %arg2[%swap3A_30, %swap3A_31], %broadcast_in_dim3A_29 {strides = array<i32>} : memref<2x128xf32, #tpu.memory_space<vmem>>, vector<2x128xf32>,
    } else {
    }
    %get3A_11 = arith.constant 0 : index
    %get3A_12 = arith.constant 0 : index
    %get3A_13 = vector.load %arg2[%get3A_11, %get3A_12] : memref<2x128xf32, #tpu.memory_space<vmem>>, vector<1x128xf32>
    %reduce_sum3A = arith.constant dense<0.000000e+00> : vector<128xf32>
    %reduce_sum3A_14 = vector.multi_reduction <add>, %add3A, %reduce_sum3A [0] : vector<2000x128xf32> to vector<128xf32>
    %broadcast_in_dim3A = vector.shape_cast %reduce_sum3A_14 : vector<128xf32> to vector<1x128xf32>
    %add3A_15 = arith.addf %get3A_13, %broadcast_in_dim3A : vector<1x128xf32>
    %swap3A = arith.constant 0 : index
    %swap3A_16 = arith.constant 0 : index
    %swap3A_17 = vector.load %arg2[%swap3A, %swap3A_16] : memref<2x128xf32, #tpu.memory_space<vmem>>, vector<1x128xf32>
    tpu.vector_store %arg2[%swap3A, %swap3A_16], %add3A_15 {strides = array<i32>} : memref<2x128xf32, #tpu.memory_space<vmem>>, vector<1x128xf32>,
    %get3A_18 = arith.constant 1 : index
    %get3A_19 = arith.constant 0 : index
    %get3A_20 = vector.load %arg2[%get3A_18, %get3A_19] : memref<2x128xf32, #tpu.memory_space<vmem>>, vector<1x128xf32>
    %mul3A = arith.mulf %add3A, %add3A : vector<2000x128xf32>
    %reduce_sum3A_21 = arith.constant dense<0.000000e+00> : vector<128xf32>
    %reduce_sum3A_22 = vector.multi_reduction <add>, %mul3A, %reduce_sum3A_21 [0] : vector<2000x128xf32> to vector<128xf32>
    %broadcast_in_dim3A_23 = vector.shape_cast %reduce_sum3A_22 : vector<128xf32> to vector<1x128xf32>
    %add3A_24 = arith.addf %get3A_20, %broadcast_in_dim3A_23 : vector<1x128xf32>
    %swap3A_25 = arith.constant 1 : index
    %swap3A_26 = arith.constant 0 : index
    %swap3A_27 = vector.load %arg2[%swap3A_25, %swap3A_26] : memref<2x128xf32, #tpu.memory_space<vmem>>, vector<1x128xf32>
    tpu.vector_store %arg2[%swap3A_25, %swap3A_26], %add3A_24 {strides = array<i32>} : memref<2x128xf32, #tpu.memory_space<vmem>>, vector<1x128xf32>,
    return
  }
  func.func @transform_0(%arg0: i32) -> (i32, i32, i32) {
    %c0_i32 = arith.constant 0 : i32
    %c0_i32_0 = arith.constant 0 : i32
    %c0_i32_1 = arith.constant 0 : i32
    return %c0_i32, %arg0, %c0_i32_0 : i32, i32, i32
  }
  func.func @transform_1(%arg0: i32) -> (i32, i32) {
    %c0_i32 = arith.constant 0 : i32
    %c0_i32_0 = arith.constant 0 : i32
    %c0_i32_1 = arith.constant 0 : i32
    return %c0_i32, %c0_i32_0 : i32, i32
  }
}

</mosaic_0001>

<sc_bundles>
// kernel: kernel.6.cloned.1.call-start
scs
__scs_entry_jumppad:
0x0: {  	(pc) =	sbr.rel $0x88, $3  }
0x1: {  	(tag) =	ssettag $0x0;
	lr =	simm.s32 $0x1  }
0x2: {  	[smem:$0x3F9A] =	sst lr;
	_ =	strace $0xD0000000  }
0x3: {  	_ = 	snop  }
0x4: {  	_ = 	snop  }
0x5: {  	_ = 	snop  }
0x6: {  	_ = 	snop  }
0x7: {  	_ = 	snop  }
__scs_overlays_trampoline_lowered:
0x8: {  	[smem:$0x3FA9] =	sst s0  }
0x9: {  	[smem:$0x3FAA] =	sst s1  }
0xa: {  	[smem:$0x3FAB] =	sst s2  }
0xb: {  	[smem:$0x3FAC] =	sst s3  }
0xc: {  	[smem:$0x3FAD] =	sst s4  }
0xd: {  	[smem:$0x3FAE] =	sst s5  }
0xe: {  	[smem:$0x3FAF] =	sst s6  }
0xf: {  	[smem:$0x3FB0] =	sst s7  }
0x10: {  	[smem:$0x3FB1] =	sst s8  }
0x11: {  	[smem:$0x3FB2] =	sst s9;
	s0 =	simm.s32 @!p0 $0x0  }
0x12: {  	s1 =	sld [smem:$0x3F98];
	s0 =	simm.s32 @p0 $0x1  }
0x13: {  	[smem:$0x3FB3] =	sst s0;
	s0 =	simm.s32 @!p1 $0x0  }
0x14: {  	s2 =	sld [smem:$0x3F97];
	s0 =	simm.s32 @p1 $0x1  }
0x15: {  	[smem:$0x3FB4] =	sst s0;
	s0 =	simm.s32 @!p2 $0x0  }
0x16: {  	s3 =	sld [smem:$0x3FDB];
	s0 =	simm.s32 @p2 $0x1  }
0x17: {  	s4 =	simm.s32 $0x1BF5;
	[smem:$0x3FB6] =	sst s0  }
0x18: {  	s0 =	sld [smem:$0x3F99];
	_ =	swait.ge [sflag:s4], $0x0  }
0x19: {  	s7 =	sld [smem:$0x3F9A]  }
0x1a: {  	s8 =	sadd.s32 $0xFFFFE003, lr  }
0x1b: {  	s9 =	sadd.s32 $0xFFFFFEF7, lr;
	s5 =	simm.s32 $0xFFFFFFFF;
	p2 =	slt.u32 s8, $0xFFFFF086  }
0x1c: {  	p1 =	slt.u32 s9, $0xF7A;
	s5 =	simm.s32 @!p2 $0x0  }
0x1d: {  	s5 =	simm.s32 @p1 $0x1;
	p0 =	seq.s32 s7, s2  }
0x1e: {  	s7 =	smul.u32 @!p0 $0xF7A, s2;
	p2 =	seq.s32 @!p0 s5, $0x0  }
0x1f: {  	s9 =	smul.u32 $0xF7A, s1;
	s8 =	simm.s32 @!p0 $0x1BF5;
	p2 =	por !p2, p0  }
0x20: {  	[sflag:s8] =	ssyncset.s32 @!p0 $0xFFFFF086;
	s6 =	sadd.s32 @!p0 s3, s7;
	s7 =	simm.s32 @!p0 $0x108  }
0x21: {  	s3 =	sadd.s32 s3, s9;
	s6 =	sadd.s32 @!p0 $0x88, s6;
	s7 =	simm.s32 @p2 $0x1082  }
0x22: {  	[simem:s7], [sflag:s8] =	dma.local @!p0 [hbm:s6], $0xF7A  }
0x23: {  	s9 =	sor.u32 $0xD0000000, s2;
	s6 =	simm.s32 $0x108;
	_ =	swait.ge @!p0 [sflag:s8], $0x0  }
0x24: {  	s3 =	sadd.s32 $0x88, s3;
	s6 =	simm.s32 @!p1 $0x1082;
	[sflag:s4] =	ssyncset.s32 $0xFFFFF086  }
0x25: {  	[simem:s6], [sflag:s4] =	dma.local [hbm:s3], $0xF7A  }
0x26: {  	[smem:$0x3F9A] =	sst s1;
	(tag) =	ssettag s2;
	_ =	strace s9  }
0x27: {  	s1 =	sld [smem:$0x3FAA]  }
0x28: {  	s2 =	sld [smem:$0x3FAB]  }
0x29: {  	s4 =	sld [smem:$0x3FAD]  }
0x2a: {  	p0 =	seq.s32 s5, $0x0;
	s5 =	sld [smem:$0x3FAE]  }
0x2b: {  	s6 =	sld [smem:$0x3FAF]  }
0x2c: {  	s7 =	sld [smem:$0x3FB0]  }
0x2d: {  	s3 =	simm.s32 $0x108;
	s8 =	sld [smem:$0x3FB1]  }
0x2e: {  	s3 =	simm.s32 @!p0 $0x1082;
	s9 =	sld [smem:$0x3FB2]  }
0x2f: {  	lr =	sadd.s32 s0, s3;
	s0 =	sld [smem:$0x3FA9]  }
0x30: {  	s3 =	sld [smem:$0x3FAC]  }
0x31: {  	[smem:$0x3FB5] =	sst s10  }
0x32: {  	s10 =	sld [smem:$0x3FB3];
	_ =	sdelay $0x3  }
0x33: {  	p0 =	seq.s32 s10, $0x1;
	s10 =	sld [smem:$0x3FB5];
	_ =	sdelay $0x3  }
0x34: {  	[smem:$0x3FB5] =	sst s10  }
0x35: {  	s10 =	sld [smem:$0x3FB4];
	_ =	sdelay $0x3  }
0x36: {  	p1 =	seq.s32 s10, $0x1;
	s10 =	sld [smem:$0x3FB5];
	_ =	sdelay $0x3  }
0x37: {  	[smem:$0x3FB5] =	sst s10  }
0x38: {  	s10 =	sld [smem:$0x3FB6]  }
0x39: {  	_ = 	snop;
	(pc) =	sbr.ind lr, $3  }
0x3a: {  	_ = 	snop  }
0x3b: {  	_ = 	snop  }
0x3c: {  	p2 =	seq.s32 s10, $0x1;
	s10 =	sld [smem:$0x3FB5]  }
0x3d: {  	_ =	shalt  }
0x3e: {  	_ =	shalt  }
0x3f: {  	_ =	shalt  }
0x40: {  	_ =	shalt  }
0x41: {  	_ =	shalt  }
0x42: {  	_ =	shalt  }
0x43: {  	_ =	shalt  }
0x44: {  	_ =	shalt  }
0x45: {  	_ =	shalt  }
0x46: {  	_ =	shalt  }
0x47: {  	_ =	shalt  }
0x48: {  	_ =	shalt  }
0x49: {  	_ =	shalt  }
0x4a: {  	_ =	shalt  }
0x4b: {  	_ =	shalt  }
0x4c: {  	_ =	shalt  }
0x4d: {  	_ =	shalt  }
0x4e: {  	_ =	shalt  }
0x4f: {  	_ =	shalt  }
0x50: {  	_ =	shalt  }
0x51: {  	_ =	shalt  }
0x52: {  	_ =	shalt  }
0x53: {  	_ =	shalt  }
0x54: {  	_ =	shalt  }
0x55: {  	_ =	shalt  }
0x56: {  	_ =	shalt  }
0x57: {  	_ =	shalt  }
0x58: {  	_ =	shalt  }
0x59: {  	_ =	shalt  }
0x5a: {  	_ =	shalt  }
0x5b: {  	_ =	shalt  }
0x5c: {  	_ =	shalt  }
0x5d: {  	_ =	shalt  }
0x5e: {  	_ =	shalt  }
0x5f: {  	_ =	shalt  }
0x60: {  	_ =	shalt  }
0x61: {  	_ =	shalt  }
0x62: {  	_ =	shalt  }
0x63: {  	_ =	shalt  }
0x64: {  	_ =	shalt  }
0x65: {  	_ =	shalt  }
0x66: {  	_ =	shalt  }
0x67: {  	_ =	shalt  }
0x68: {  	_ =	shalt  }
0x69: {  	_ =	shalt  }
0x6a: {  	_ =	shalt  }
0x6b: {  	_ =	shalt  }
0x6c: {  	_ =	shalt  }
0x6d: {  	_ =	shalt  }
0x6e: {  	_ =	shalt  }
0x6f: {  	_ =	shalt  }
0x70: {  	_ =	shalt  }
0x71: {  	_ =	shalt  }
0x72: {  	_ =	shalt  }
0x73: {  	_ =	shalt  }
0x74: {  	_ =	shalt  }
0x75: {  	_ =	shalt  }
0x76: {  	_ =	shalt  }
0x77: {  	_ =	shalt  }
0x78: {  	_ =	shalt  }
0x79: {  	_ =	shalt  }
0x7a: {  	_ =	shalt  }
0x7b: {  	_ =	shalt  }
0x7c: {  	_ =	shalt  }
0x7d: {  	_ =	shalt  }
0x7e: {  	_ =	shalt  }
0x7f: {  	_ =	shalt  }
0x80: {  	_ =	shalt  }
0x81: {  	_ =	shalt  }
0x82: {  	_ =	shalt  }
0x83: {  	_ =	shalt  }
0x84: {  	_ =	shalt  }
0x85: {  	_ =	shalt  }
0x86: {  	_ =	shalt  }
0x87: {  	_ =	shalt  }
.Lfunc_end0:
.L_simem_size_0:
called_computation_lowered:
.L_overlay_start_0:
0x88: {  	s2 =	sld [smem:$0x3FD9]  }
0x89: {  	s3 =	sld [smem:$0x3FFE];
	_ =	sdelay $0x1  }
0x8a: {  	s1 =	srdreg.scid  }
0x8b: {  	s0 =	sand.u32 $0x1, s1  }
0x8c: {  	s17 =	sshll.u32 s0, $0xA;
	s2 =	sadd.s32 s3, s2  }
0x8d: {  	s2 =	sadd.s32 s2, s17  }
0x8e: {  	[smem:$0x3FC1] =	sst s2  }
0x8f: {  	_ = 	snop  }
0x90: {  	s2 =	sld [smem:$0x3FD0];
	(tm) =	ssettm $0x1  }
0x91: {  	s18 =	sld [smem:$0x3FFB];
	_ =	sdelay $0x3  }
0x92: {  	_ =	strace s18  }
0x93: {  	s3 =	sld [smem:$0x3FFC];
	_ =	sdelay $0x3  }
0x94: {  	_ =	strace s3  }
0x95: {  	s3 =	sld [smem:$0x3FFD];
	_ =	sdelay $0x3  }
0x96: {  	_ =	strace s3  }
0x97: {  	_ =	strace $0x8FFFFFFF  }
0x98: {  	s19 =	sld [smem:$0x3FDB];
	_ =	sdelay $0x1  }
0x99: {  	s4 =	simm.s32 $_scs_section_size  }
0x9a: {  	s5 =	simm.s32 $_size__tile_overlayer_lowered;
	s6 =	simm.s32 $_tile_overlayer_lowered  }
0x9b: {  	s22 =	simm.s32 $0x1BFF;
	s21 =	sshll.u32 s6, $0x1;
	s3 =	sadd.s32 s4, s19  }
0x9c: {  	s7 =	simm.s32 $0x0;
	s20 =	sshll.u32 s5, $0x1;
	s5 =	sadd.s32 s21, s3  }
0x9d: {  	[timem:s7], [sflag:s22] =	dma.local [hbm:s5], s20  }
0x9e: {  	_ =	swait.ge [sflag:s22], s20  }
0x9f: {  	s4 =	ssub.s32 $0x0, s20;
	[sflag:s22] =	ssyncset.done $0x0  }
0xa0: {  	[sflag:s22] =	ssyncadd.s32 s4;
	_ =	sdelay $0x1  }
0xa1: {  	s23 =	simm.s32 $0x1B8B  }
0xa2: {  	_ =	swait.ge [sflag:s23], $0x1  }
0xa3: {  	[sflag:s23] =	ssyncset.done $0x0  }
0xa4: {  	s25 =	simm.s32 $0x1B8E;
	s24 =	sld [smem:$0x3FFE];
	[sflag:s23] =	ssyncadd.s32 $0xFFFFFFFF  }
0xa5: {  	s26 =	simm.s32 $execute0_lowered;
	[smem:$0x3FD2] =	sst s25  }
0xa6: {  	s5 =	sshll.u32 s26, $0x1;
	_ =	strace $0x80000046;
	[dreg:$0x1] =	wrdreg $0xFFFFFFFF  }
0xa7: {  	s28 =	simm.s32 $_size_execute0_lowered;
	s3 =	sadd.s32 s3, s5;
	[dreg:$0x0] =	wrdreg $0x0  }
0xa8: {  	s5 =	sshll.u32 s28, $0x1;
	[dreg:$0x2] =	wrdreg s3  }
0xa9: {  	[dreg:$0x3] =	wrdreg s5  }
0xaa: {  	[dreg:$0x4] =	wrdreg $0xC0  }
0xab: {  	_ =	task [dreg:s7], $0x5FFFF  }
0xac: {  	[dreg:$0x1] =	wrdreg $0xFFFFFFFF  }
0xad: {  	[dreg:$0x0] =	wrdreg $0x60  }
0xae: {  	[dreg:$0x2] =	wrdreg s24  }
0xaf: {  	[dreg:$0x3] =	wrdreg s2  }
0xb0: {  	[dreg:$0x4] =	wrdreg $0xA8000  }
0xb1: {  	[dreg:$0x5] =	wrdreg $0x9  }
0xb2: {  	_ =	task.clear_ibuf [dreg:s7], $0x6FFFF;
	_ =	strace $0x90000046  }
0xb3: {  	s29 =	simm.s32 $0x9;
	_ =	strace $0x80000048  }
0xb4: {  	_ =	swait.ge [sflag:s29], $0x1  }
0xb5: {  	[sflag:s29] =	ssyncadd.s32 $0xFFFFFFFF  }
0xb6: {  	_ =	strace $0x90000048  }
0xb7: {  	_ =	sfence  }
0xb8: {  	s30 =	sld [smem:$0x0];
	_ =	sdelay $0x2  }
0xb9: {  	s31 =	sshll.u32 s1, $0xD;
	s1 =	sshrl.u32 s1, $0x2  }
0xba: {  	s3 =	sand.u32 $0x4000, s31;
	s1 =	sadd.s32 s1, s30  }
0xbb: {  	s0 =	sor.u32 s3, s0;
	s1 =	sshll.u32 s1, $0x11  }
0xbc: {  	s0 =	sor.u32 s1, s0  }
0xbd: {  	s0 =	sadd.s32 $0x8F2B, s0  }
0xbe: {  	[sflag:s0] =	ssyncadd.remote.s32 $0x1  }
0xbf: {  	_ =	sfence.sel $0xFFFF  }
0xc0: {  	[dreg:$0x0] =	wrdreg $0xFFFFFFFF;
	(pc) =	sbr.abs _section_cstart, $3  }
0xc1: {  	[dreg:$0x1] =	wrdreg $0xFFFFFFFF  }
0xc2: {  	_ =	task.clear_ibuf [dreg:s7], $0x2FFFF;
	_ =	strace $0x9FFFFFFF  }
0xc3: {  	(tm) =	ssettm $0x7FFFFFFF  }
tec
execute0_lowered:
.L_overlay_start_1:
0x0: {  	(tag) =	ssettag $0x1  }
0x1: {  	s12 =	rddreg [dreg:$0x0]  }
0x2: {  	s9 =	rddreg [dreg:$0x1];
	s0 =	stileid.u32  }
0x3: {  	s1 =	srdreg.scid;
	s2 =	rddreg [dreg:$0x2]  }
0x4: {  	s3 =	simm.s32 $0x0;
	s16 =	simm.s32 $0x16AC00;
	s17 =	simm.s32 $0x2800  }
0x5: {  	s18 =	simm.s32 $0x1;
	s8 =	sand.u32 $0x1, s1;
	s1 =	rddreg [dreg:$0x3]  }
0x6: {  	s19 =	simm.s32 $0x0;
	s4 =	smul.u32 $0x13C00, s0;
	[smem:$0x7FF] =	sst s3  }
0x7: {  	s10 =	sadd.s32 $0x1200, s12;
	s11 =	smul.u32 $0x4F000, s0;
	s30 =	sshll.u32 s0, $0x6  }
0x8: {  	s5 =	smul.u32 $0x13C000, s8;
	_ =	strace $0x80000047;
	s25 =	ssub.s32 $0x2, s8  }
0x9: {  	s7 =	sshll.u32 s8, $0x4;
	p0 =	seq.s32 s8, $0x1;
	s6 =	sshrl.u32 s4, $0x3  }
0xa: {  	s26 =	sshrl.u32 s25, $0x1;
	s7 =	sor.u32 s0, s7;
	s28 =	sshrl.u32 s11, $0x2  }
0xb: {  	s16 =	simm.s32 @!p0 $0xB200;
	s4 =	sadd.s32 s4, s5;
	s24 =	sadd.s32 s6, s12  }
0xc: {  	s14 =	ssub.s32 s25, s26;
	s29 =	smul.u32 $0x2800, s7;
	s15 =	sadd.s32 s28, s2  }
0xd: {  	s7 =	smul.u32 $0x500, s7;
	s5 =	sor.u32 $0x1C02, s30;
	s4 =	sshrl.u32 s4, $0x3  }
0xe: {  	s13 =	sadd.s32 s4, s12;
	s4 =	sadd.s32 $0x2CA600, s24;
	s31 =	sshrl.u32 s29, $0x3  }
0xf: {  	s6 =	sadd.s32 s10, s7;
	s7 =	sadd.s32 s9, s7;
	s11 =	sadd.s32 $0x280, s31  }
0x10: {  	s12 =	sadd.s32 s16, s12;
	s16 =	simm.s32 $0x80;
	s8 =	sadd.s32 s10, s11  }
0x11: {  	s9 =	sadd.s32 s9, s11;
	s10 =	sadd.s32 $0x2F1E00, s13;
	s11 =	smax.u32 s14, $0x1  }
0x12: {  	s13 =	sshrl.u32 s15, $0x3;
	s14 =	simm.s32 $0x2;
	s15 =	simm.s32 $0x1400  }
.LBB2_1:
0x13: {  	[spmem:s13], [sflag:s5] =	dma.local [hbm:s4], $0x2780  }
0x14: {  	_ =	swait.ge [sflag:s14], $0x2780  }
0x15: {  	[sflag:s14] =	ssyncset.done $0x0  }
0x16: {  	[sflag:s14] =	ssyncadd.s32 $0xFFFFD880  }
0x17: {  	[bflag:$0x0] =	sbarrier.arrive $0xFFFF  }
0x18: {  	[tilespmem:s3], [sflag:$0x2] =	stream.linear.gather [hbm4b:s6+s3], $0x1400, $0x38;
	[tilespmem:$0x1E400] =	vst v63  }
0x19: {  	_ =	swait.ge [sflag:s14], $0x1400  }
0x1a: {  	[sflag:s14] =	ssyncset.done $0x0  }
0x1b: {  	[sflag:s14] =	ssyncadd.s32 $0xFFFFEC00  }
0x1c: {  	[tilespmem:s15], [sflag:$0x2] =	stream.linear.gather [hbm4b:s7+s3], $0x1400, $0x38;
	[tilespmem:$0x1E400] =	vst v63  }
0x1d: {  	_ =	swait.ge [sflag:s14], $0x1400  }
0x1e: {  	[sflag:s14] =	ssyncset.done $0x0  }
0x1f: {  	s20 =	simm.s32 $0x0;
	[sflag:s14] =	ssyncadd.s32 $0xFFFFEC00  }
0x20: {  	[tilespmem:s17], [sflag:$0x1] =	stream.indirect.gather [hbm4b:s12+s16], $0x80, s20, s16, $0xb8;
	[tilespmem:$0x1E400] =	vst v63  }
0x21: {  	_ =	swait.ge [sflag:s18], $0x4000  }
0x22: {  	[sflag:s18] =	ssyncset.done $0x0  }
0x23: {  	s31 =	simm.s32 $0x1400;
	[sflag:s18] =	ssyncadd.s32 $0xFFFFC000  }
0x24: {  	[spmem:s2] =	stream.indirect.scatter.add.f32 [tilespmem:s17], [sflag:$0x2], $0x80, s31, s16, $0xb8;
	[tilespmem:$0x1E400] =	vst v63  }
0x25: {  	_ =	swait.ge [sflag:s14], $0x4000  }
0x26: {  	s21 =	simm.s32 $0x400;
	s20 =	simm.s32 $0x200;
	[sflag:s14] =	ssyncset.done $0x0  }
.LBB2_2:
0x27: {  	s22 =	sshra.s32 s20, $0x2  }
0x28: {  	[sflag:s14] =	ssyncadd.s32 $0xFFFFC000;
	s20 =	smov.u32 s21;
	s23 =	sadd.s32 $0x200, s21  }
0x29: {  	[tilespmem:s17], [sflag:$0x1] =	stream.indirect.gather [hbm4b:s12+s16], $0x80, s22, s16, $0xb8;
	[tilespmem:$0x1E400] =	vst v63  }
0x2a: {  	p0 =	sne.s32 s21, $0x4E00;
	_ =	swait.ge [sflag:s18], $0x4000  }
.Ltmp0:
0x2b: {  	[sflag:s18] =	ssyncset.done $0x0;
	(pc) =	sbr.rel @p0 .LBB2_2-.Ltmp0, $4  }
0x2c: {  	s21 =	sadd.s32 $0x1400, s22;
	[sflag:s18] =	ssyncadd.s32 $0xFFFFC000  }
0x2d: {  	[spmem:s2] =	stream.indirect.scatter.add.f32 [tilespmem:s17], [sflag:$0x2], $0x80, s21, s16, $0xb8;
	[tilespmem:$0x1E400] =	vst v63  }
0x2e: {  	_ =	swait.ge [sflag:s14], $0x4000  }
0x2f: {  	s21 =	smov.u32 s23;
	[sflag:s14] =	ssyncset.done $0x0  }
0x30: {  	s20 =	sshra.s32 s20, $0x2;
	[sflag:s14] =	ssyncadd.s32 $0xFFFFC000  }
0x31: {  	[tilespmem:s17], [sflag:$0x1] =	stream.indirect.gather [hbm4b:s12+s16], $0x80, s20, s16, $0xb8;
	[tilespmem:$0x1E400] =	vst v63  }
0x32: {  	_ =	swait.ge [sflag:s18], $0x4000  }
0x33: {  	[sflag:s18] =	ssyncset.done $0x0  }
0x34: {  	s20 =	sadd.s32 $0x1400, s20;
	[sflag:s18] =	ssyncadd.s32 $0xFFFFC000  }
0x35: {  	[spmem:s2] =	stream.indirect.scatter.add.f32 [tilespmem:s17], [sflag:$0x2], $0x80, s20, s16, $0xb8;
	[tilespmem:$0x1E400] =	vst v63  }
0x36: {  	_ =	swait.ge [sflag:s14], $0x4000  }
0x37: {  	[sflag:s14] =	ssyncset.done $0x0  }
0x38: {  	s29 =	simm.s32 $0x0;
	[sflag:s14] =	ssyncadd.s32 $0xFFFFC000  }
0x39: {  	[tilespmem:s29], [sflag:$0x2] =	stream.linear.gather [hbm4b:s8+s29], $0x1400, $0x38;
	[tilespmem:$0x1E400] =	vst v63  }
0x3a: {  	_ =	swait.ge [sflag:s14], $0x1400  }
0x3b: {  	[sflag:s14] =	ssyncset.done $0x0  }
0x3c: {  	[sflag:s14] =	ssyncadd.s32 $0xFFFFEC00  }
0x3d: {  	[tilespmem:s15], [sflag:$0x2] =	stream.linear.gather [hbm4b:s9+s29], $0x1400, $0x38;
	[tilespmem:$0x1E400] =	vst v63  }
0x3e: {  	_ =	swait.ge [sflag:s14], $0x1400  }
0x3f: {  	[sflag:s14] =	ssyncset.done $0x0  }
0x40: {  	s30 =	simm.s32 $0x0;
	[sflag:s14] =	ssyncadd.s32 $0xFFFFEC00  }
0x41: {  	[tilespmem:s17], [sflag:$0x1] =	stream.indirect.gather [hbm4b:s12+s16], $0x80, s30, s16, $0xb8;
	[tilespmem:$0x1E400] =	vst v63  }
0x42: {  	_ =	swait.ge [sflag:s18], $0x4000  }
0x43: {  	[sflag:s18] =	ssyncset.done $0x0  }
0x44: {  	s31 =	simm.s32 $0x1400;
	[sflag:s18] =	ssyncadd.s32 $0xFFFFC000  }
0x45: {  	[spmem:s2] =	stream.indirect.scatter.add.f32 [tilespmem:s17], [sflag:$0x2], $0x80, s31, s16, $0xb8;
	[tilespmem:$0x1E400] =	vst v63  }
0x46: {  	_ =	swait.ge [sflag:s14], $0x4000  }
0x47: {  	s21 =	simm.s32 $0x400;
	s20 =	simm.s32 $0x200;
	[sflag:s14] =	ssyncset.done $0x0  }
.LBB2_4:
0x48: {  	s22 =	sshra.s32 s20, $0x2  }
0x49: {  	[sflag:s14] =	ssyncadd.s32 $0xFFFFC000;
	s20 =	smov.u32 s21;
	s23 =	sadd.s32 $0x200, s21  }
0x4a: {  	[tilespmem:s17], [sflag:$0x1] =	stream.indirect.gather [hbm4b:s12+s16], $0x80, s22, s16, $0xb8;
	[tilespmem:$0x1E400] =	vst v63  }
0x4b: {  	p0 =	sne.s32 s21, $0x4E00;
	_ =	swait.ge [sflag:s18], $0x4000  }
.Ltmp1:
0x4c: {  	[sflag:s18] =	ssyncset.done $0x0;
	(pc) =	sbr.rel @p0 .LBB2_4-.Ltmp1, $4  }
0x4d: {  	s21 =	sadd.s32 $0x1400, s22;
	[sflag:s18] =	ssyncadd.s32 $0xFFFFC000  }
0x4e: {  	[spmem:s2] =	stream.indirect.scatter.add.f32 [tilespmem:s17], [sflag:$0x2], $0x80, s21, s16, $0xb8;
	[tilespmem:$0x1E400] =	vst v63  }
0x4f: {  	_ =	swait.ge [sflag:s14], $0x4000  }
0x50: {  	s21 =	smov.u32 s23;
	[sflag:s14] =	ssyncset.done $0x0  }
0x51: {  	s20 =	sshra.s32 s20, $0x2;
	[sflag:s14] =	ssyncadd.s32 $0xFFFFC000  }
0x52: {  	[tilespmem:s17], [sflag:$0x1] =	stream.indirect.gather [hbm4b:s12+s16], $0x80, s20, s16, $0xb8;
	[tilespmem:$0x1E400] =	vst v63  }
0x53: {  	_ =	swait.ge [sflag:s18], $0x4000  }
0x54: {  	[sflag:s18] =	ssyncset.done $0x0  }
0x55: {  	s20 =	sadd.s32 $0x1400, s20;
	[sflag:s18] =	ssyncadd.s32 $0xFFFFC000  }
0x56: {  	[spmem:s2] =	stream.indirect.scatter.add.f32 [tilespmem:s17], [sflag:$0x2], $0x80, s20, s16, $0xb8;
	[tilespmem:$0x1E400] =	vst v63  }
0x57: {  	_ =	swait.ge [sflag:s14], $0x4000  }
0x58: {  	s19 =	sadd.s32 $0x1, s19;
	[sflag:s14] =	ssyncset.done $0x0  }
0x59: {  	p0 =	sne.s32 s19, s11;
	[sflag:s14] =	ssyncadd.s32 $0xFFFFC000  }
.Ltmp2:
0x5a: {  	[bflag:$0x0] =	sbarrier.arrive $0xFFFF;
	(pc) =	sbr.rel @p0 .LBB2_1-.Ltmp2, $4  }
0x5b: {  	[hbm:s10], [sflag:s5] =	dma.local [spmem:s13], $0x2780  }
0x5c: {  	_ =	swait.ge [sflag:s14], $0x2780  }
0x5d: {  	[sflag:s14] =	ssyncset.done $0x0  }
0x5e: {  	[sflag:s14] =	ssyncadd.s32 $0xFFFFD880  }
0x5f: {  	_ =	sfence.sel $0x180000  }
0x60: {  	[bflag:$0x0] =	sbarrier.arrive $0xFFFF  }
0x61: {  	p0 =	sne.s32 s0, $0x0;
	_ =	strace $0x90000047  }
0x62: {  	s0 =	sadd.s32 @!p0 $0x100000, s1;
	[bflag:$0x2] =	sbarrier.arrive $0xFFFF  }
0x63: {  	[sflag:s0] =	ssyncadd.tile.s32 @!p0 $0x1;
	_ =	shalt  }
.Lfunc_end2:
_tile_overlayer_lowered:
.L_overlay_start_2:
0x64: {  	(tag) =	ssettag $0x2  }
0x65: {  	s0 =	rddreg [dreg:$0x0];
	s2 =	stileid.u32  }
0x66: {  	s1 =	rddreg [dreg:$0x1];
	p0 =	sne.s32 s2, $0x0  }
0x67: {  	s3 =	rddreg [dreg:$0x2];
	[bflag:$0x3] =	sbarrier.arrive $0xFFFF;
	s2 =	simm.s32 @!p0 $0x1C02  }
0x68: {  	[timem:s3], [sflag:s2] =	dma.local @!p0 [hbm:s0], s1  }
0x69: {  	s0 =	simm.s32 @!p0 $0x2  }
0x6a: {  	_ =	swait.ge @!p0 [sflag:s0], s1  }
0x6b: {  	s1 =	ssub.s32 @!p0 $0x0, s1;
	[sflag:s0] =	ssyncset.done @!p0 $0x0  }
0x6c: {  	[sflag:s0] =	ssyncadd.s32 @!p0 s1  }
0x6d: {  	[bflag:$0x3] =	sbarrier.arrive $0xFFFF  }
0x6e: {  	_ =	shalt  }

</sc_bundles>
